<compile_context>
chip_gen: v7x
topology: tpu7x:2x2x1
jax: 0.10.2.dev20260603
libtpu: 0.0.44.dev20260713+nightly
codegen_flags: <defaults>
</compile_context>

<pallas_src>
import functools

import jax
import jax.numpy as jnp
from jax import lax
from jax.experimental import pallas as pl
from jax.experimental.pallas import tpu as pltpu
from jax.experimental.pallas import tpu_sc as plsc

F = 26
V = 100000
K = 16
B = 4096
H1, H2 = 400, 400
D0 = F * K

NC, NS = 2, 16
NW = NC * NS
BPW = B // NW


PPW = D0 // NW


def _sc_gather_body(idxT_hbm, fidxT_hbm, embT_hbm, lin_hbm, xT_out, linT_out,
                    plane_v, idx_v, row_v, fidx_v, linT_v, sem_p, sem_l):
    wid = lax.axis_index("s") * NC + lax.axis_index("c")

    b0 = pl.multiple_of(wid * BPW, BPW)
    pltpu.sync_copy(fidxT_hbm.at[:, pl.ds(b0, BPW)], fidx_v)

    def lin_fire(f, carry):
        pltpu.async_copy(lin_hbm.at[fidx_v.at[f]], linT_v.at[f], sem_l)
        return carry

    lax.fori_loop(0, F, lin_fire, 0)

    def plane(i, carry):
        p = wid * PPW + i
        f = p // K
        k = p % K
        pltpu.sync_copy(embT_hbm.at[f, k], plane_v)
        pltpu.sync_copy(idxT_hbm.at[f], idx_v)

        def grp(g, c2):
            off = pl.multiple_of(g * 16, 16)
            vvec = idx_v[pl.ds(off, 16)]
            row_v[pl.ds(off, 16)] = plsc.load_gather(plane_v, [vvec])
            return c2

        lax.fori_loop(0, B // 16, grp, 0)
        pltpu.sync_copy(row_v, xT_out.at[p])
        return carry

    lax.fori_loop(0, PPW, plane, 0)

    def lin_drain(f, carry):
        pltpu.make_async_copy(lin_hbm.at[fidx_v.at[f]],
                              linT_v.at[f], sem_l).wait()
        return carry

    lax.fori_loop(0, F, lin_drain, 0)
    pltpu.sync_copy(linT_v, linT_out.at[:, pl.ds(b0, BPW)])


_sc_gather = functools.partial(
    pl.kernel,
    mesh=plsc.VectorSubcoreMesh(core_axis_name="c", subcore_axis_name="s",
                                num_cores=NC, num_subcores=NS),
    compiler_params=pltpu.CompilerParams(needs_layout_passes=False),
    out_type=[
        jax.ShapeDtypeStruct((D0, B), jnp.float32),
        jax.ShapeDtypeStruct((F, B), jnp.float32),
    ],
    scratch_types=[
        pltpu.VMEM((V,), jnp.float32),
        pltpu.VMEM((B,), jnp.int32),
        pltpu.VMEM((B,), jnp.float32),
        pltpu.VMEM((F, BPW), jnp.int32),
        pltpu.VMEM((F, BPW), jnp.float32),
        pltpu.SemaphoreType.DMA,
        pltpu.SemaphoreType.DMA,
    ],
)(_sc_gather_body)


BB = 4096


def _mlp_body(xt_ref, lin_ref, m_ref, w1t_ref, b1_ref, w2t_ref, b2_ref,
              w3t_ref, b3_ref, lb_ref, out_ref, inter_ref, acc_ref):
    i = pl.program_id(0)
    xt = xt_ref[...]
    st = jnp.dot(m_ref[...], xt, precision=lax.Precision.HIGHEST)
    part = 0.5 * (jnp.sum(st * st, axis=(0, 1), keepdims=True)
                  - jnp.sum(xt * xt, axis=(0, 1), keepdims=True))

    @pl.when(i == 0)
    def _():
        acc_ref[...] = jnp.zeros((1, 1), jnp.float32)

    acc_ref[...] += part
    xb = xt.astype(jnp.bfloat16)
    h = jnp.maximum(
        jnp.dot(w1t_ref[...].astype(jnp.bfloat16), xb,
                preferred_element_type=jnp.float32) + b1_ref[...], 0.0)
    h = jnp.maximum(
        jnp.dot(w2t_ref[...].astype(jnp.bfloat16), h.astype(jnp.bfloat16),
                preferred_element_type=jnp.float32) + b2_ref[...], 0.0)
    fnn = jnp.dot(w3t_ref[...].astype(jnp.bfloat16), h.astype(jnp.bfloat16),
                  preferred_element_type=jnp.float32) + b3_ref[...]
    line = jnp.sum(lin_ref[...], axis=0, keepdims=True) + lb_ref[...]
    out_ref[...] = line + fnn
    inter_ref[...] = acc_ref[...]


_mlp = pl.pallas_call(
    _mlp_body,
    grid=(B // BB,),
    in_specs=[
        pl.BlockSpec((D0, BB), lambda i: (0, i)),
        pl.BlockSpec((F, BB), lambda i: (0, i)),
        pl.BlockSpec((K, D0), lambda i: (0, 0)),
        pl.BlockSpec((H1, D0), lambda i: (0, 0)),
        pl.BlockSpec((H1, 1), lambda i: (0, 0)),
        pl.BlockSpec((H2, H1), lambda i: (0, 0)),
        pl.BlockSpec((H2, 1), lambda i: (0, 0)),
        pl.BlockSpec((1, H2), lambda i: (0, 0)),
        pl.BlockSpec((1, 1), lambda i: (0, 0)),
        pl.BlockSpec((1, 1), lambda i: (0, 0)),
    ],
    out_specs=[
        pl.BlockSpec((1, BB), lambda i: (0, i)),
        pl.BlockSpec((1, 1), lambda i: (0, 0)),
    ],
    out_shape=[
        jax.ShapeDtypeStruct((1, B), jnp.float32),
        jax.ShapeDtypeStruct((1, 1), jnp.float32),
    ],
    scratch_shapes=[pltpu.VMEM((1, 1), jnp.float32)],
)


def kernel(inputs, emb_table, lin_table, lin_bias, W1, b1, W2, b2, W3, b3):
    idxT = inputs.T
    fidxT = idxT + (jnp.arange(F, dtype=jnp.int32) * V)[:, None]
    embT = jnp.transpose(emb_table, (0, 2, 1))
    lin_flat = lin_table.reshape(F * V)
    xT, linT = _sc_gather(idxT, fidxT, embT, lin_flat)
    msel = jnp.tile(jnp.eye(K, dtype=jnp.float32), (1, F))
    outT, inter = _mlp(xT, linT, msel, W1.T, b1.reshape(H1, 1), W2.T,
                       b2.reshape(H2, 1), W3.T, b3.reshape(1, 1),
                       lin_bias.reshape(1, 1))
    return outT.reshape(B, 1) + inter

# --- scband reference (transcript-rebuilt; emitter-appended) ---
"""Pipeline reference for scband-deep-fm-10849087389713 (READ-ONLY COPY).

The authoritative reference and input builder live on the scoring server;
editing this copy changes nothing except your own understanding.
"""

import jax, jax.numpy as jnp
import numpy as np

F = 26      # n_sparse_fields
V = 100000  # cardinality per field
K = 16      # factor_dim
B = 4096    # batch
H1, H2, HOUT = 400, 400, 1


def setup_inputs(seed: int = 0) -> dict:
    key = jax.random.key(seed)
    ks = jax.random.split(key, 10)
    inputs = jax.random.randint(ks[0], (B, F), 0, V, dtype=jnp.int32)
    emb_table = jax.random.normal(ks[1], (F, V, K), dtype=jnp.float32) * 0.01
    lin_table = jax.random.normal(ks[2], (F, V, 1), dtype=jnp.float32) * 0.01
    lin_bias = jnp.zeros((1,), dtype=jnp.float32)
    d0 = F * K
    W1 = jax.random.normal(ks[3], (d0, H1), dtype=jnp.float32) * (1.0 / np.sqrt(d0))
    b1 = jnp.zeros((H1,), dtype=jnp.float32)
    W2 = jax.random.normal(ks[4], (H1, H2), dtype=jnp.float32) * (1.0 / np.sqrt(H1))
    b2 = jnp.zeros((H2,), dtype=jnp.float32)
    W3 = jax.random.normal(ks[5], (H2, HOUT), dtype=jnp.float32) * (1.0 / np.sqrt(H2))
    b3 = jnp.zeros((HOUT,), dtype=jnp.float32)
    return {"inputs": inputs, "emb_table": emb_table, "lin_table": lin_table,
            "lin_bias": lin_bias, "W1": W1, "b1": b1, "W2": W2, "b2": b2,
            "W3": W3, "b3": b3}


def reference(inputs, emb_table, lin_table, lin_bias, W1, b1, W2, b2, W3, b3):
    f_idx = jnp.arange(F)[None, :]  # [1, F] broadcast against [B, F]
    # LinearModel: per-field scalar embedding lookup, summed over fields + bias
    lin = lin_table[f_idx, inputs]            # [B, F, 1] gather
    line_out = jnp.sum(lin, axis=1) + lin_bias  # [B, 1]
    # EmbedModel: per-field factor embedding lookup
    factor = emb_table[f_idx, inputs]         # [B, F, K] gather
    # FM second-order interaction (note: tf.reduce_sum with no axis -> scalar)
    sum_of_square = jnp.sum(factor, axis=1) ** 2       # [B, K]
    square_of_sum = jnp.sum(factor ** 2, axis=1)       # [B, K]
    interaction_out = 0.5 * jnp.sum(sum_of_square - square_of_sum)  # scalar
    fm_out = line_out + interaction_out       # [B, 1] (scalar broadcast)
    # Deep part: flatten (channels_first flatten of [B, F, K] -> [B, F*K])
    flat = factor.reshape(B, F * K)
    h = jax.nn.relu(flat @ W1 + b1)
    h = jax.nn.relu(h @ W2 + b2)
    fnn_out = h @ W3 + b3                     # [B, 1]
    return fm_out + fnn_out                   # [B, 1]

if __name__ == "__main__":
    import jax
    _d = setup_inputs()
    print(jax.jit(kernel)(*tuple(_d.values())))

</pallas_src>

<mosaic_0001>
#map = affine_map<(d0, d1) -> (0, 0)>
#map1 = affine_map<(d0, d1) -> (0, 0, 0)>
#map2 = affine_map<(d0, d1) -> (0)>
module attributes {stable_mosaic.version = 14 : i64} {
  func.func @_sc_gather_body(%arg0: i32, %arg1: i32, %arg2: memref<26x4096xi32, #tpu.memory_space<hbm>>, %arg3: memref<26x4096xi32, #tpu.memory_space<hbm>>, %arg4: memref<26x16x100000xf32, #tpu.memory_space<hbm>>, %arg5: memref<2600000xf32, #tpu.memory_space<hbm>>, %arg6: memref<416x4096xf32, #tpu.memory_space<hbm>>, %arg7: memref<26x4096xf32, #tpu.memory_space<hbm>>, %arg8: memref<100000xf32, #tpu.memory_space<vmem>>, %arg9: memref<4096xi32, #tpu.memory_space<vmem>>, %arg10: memref<4096xf32, #tpu.memory_space<vmem>>, %arg11: memref<26x128xi32, #tpu.memory_space<vmem>>, %arg12: memref<26x128xf32, #tpu.memory_space<vmem>>, %arg13: memref<!tpu.dma_semaphore, #tpu.memory_space<semaphore_mem>>, %arg14: memref<!tpu.dma_semaphore, #tpu.memory_space<semaphore_mem>>) attributes {dimension_semantics = [#tpu.dimension_semantics<core_parallel>, #tpu.dimension_semantics<subcore_parallel>], iteration_bounds = array<i64: 2, 16>, scalar_prefetch = 0 : i64, scratch_operands = 7 : i64, tpu.core_type = #tpu.core_type<sc_vector_subcore>, window_params = [{transform_indices = #map}, {transform_indices = #map}, {transform_indices = #map1}, {transform_indices = #map2}, {transform_indices = #map}, {transform_indices = #map}]} {
    %mul3A = arith.constant 2 : i32
    %mul3A_0 = arith.muli %arg1, %mul3A : i32
    %add3A = arith.addi %mul3A_0, %arg0 : i32
    %mul3A_1 = arith.constant 128 : i32
    %mul3A_2 = arith.muli %add3A, %mul3A_1 : i32
    %multiple_of3A = tpu.assume_multiple %mul3A_2, 128 : i32
    "tpu.region"() ({
      %run_scoped3A = tpu.sem_alloc : memref<!tpu.dma_semaphore, #tpu.memory_space<semaphore_mem>>
      %dma_start3A = arith.constant 0 : i32
      %dma_start3A_20 = tpu.memref_slice %arg3[%dma_start3A, %multiple_of3A] : memref<26x4096xi32, #tpu.memory_space<hbm>> -> memref<26x128xi32, #tpu.memory_space<hbm>>
      %dma_start3A_21 = arith.constant 0 : i32
      %dma_start3A_22 = tpu.memref_slice %arg3[%dma_start3A_21, %multiple_of3A] : memref<26x4096xi32, #tpu.memory_space<hbm>> -> memref<26x128xi32, #tpu.memory_space<hbm>>
      tpu.enqueue_dma source(%dma_start3A_22 : memref<26x128xi32, #tpu.memory_space<hbm>>) target(%arg11 : memref<26x128xi32, #tpu.memory_space<vmem>>) target_semaphore(%run_scoped3A : memref<!tpu.dma_semaphore, #tpu.memory_space<semaphore_mem>>)
      %dma_wait3A = arith.constant 0 : i32
      %dma_wait3A_23 = tpu.memref_slice %arg3[%dma_wait3A, %multiple_of3A] : memref<26x4096xi32, #tpu.memory_space<hbm>> -> memref<26x128xi32, #tpu.memory_space<hbm>>
      %dma_wait3A_24 = arith.constant 0 : i32
      %dma_wait3A_25 = tpu.memref_slice %arg3[%dma_wait3A_24, %multiple_of3A] : memref<26x4096xi32, #tpu.memory_space<hbm>> -> memref<26x128xi32, #tpu.memory_space<hbm>>
      tpu.wait_dma2 semaphore(%run_scoped3A : memref<!tpu.dma_semaphore, #tpu.memory_space<semaphore_mem>>) src(%dma_wait3A_25 : memref<26x128xi32, #tpu.memory_space<hbm>>) dst(%arg11 : memref<26x128xi32, #tpu.memory_space<vmem>>)
      tpu.yield
    }) : () -> ()
    %scan3A = arith.constant 0 : i32
    %scan3A_3 = arith.constant 0 : i32
    %scan3A_4 = arith.constant 26 : i32
    %scan3A_5 = arith.addi %scan3A_3, %scan3A_4 : i32
    %scan3A_6 = arith.constant 1 : i32
    scf.for %scan3A_20 = %scan3A_3 to %scan3A_5 step %scan3A_6  : i32 {
      %dma_start3A = arith.constant 0 : i32
      %dma_start3A_21 = tpu.memref_slice %arg12[%scan3A_20, %dma_start3A] : memref<26x128xf32, #tpu.memory_space<vmem>> -> memref<1x128xf32, #tpu.memory_space<vmem>>
      %dma_start3A_22 = tpu.memref_squeeze %dma_start3A_21 : memref<1x128xf32, #tpu.memory_space<vmem>> -> memref<128xf32, #tpu.memory_space<vmem>>
      %dma_start3A_23 = arith.constant 0 : i32
      %dma_start3A_24 = tpu.memref_slice %arg11[%scan3A_20, %dma_start3A_23] : memref<26x128xi32, #tpu.memory_space<vmem>> -> memref<1x128xi32, #tpu.memory_space<vmem>>
      %dma_start3A_25 = tpu.memref_squeeze %dma_start3A_24 : memref<1x128xi32, #tpu.memory_space<vmem>> -> memref<128xi32, #tpu.memory_space<vmem>>
      %dma_start3A_26 = arith.constant 0 : i32
      %dma_start3A_27 = tpu.memref_slice %arg5[%dma_start3A_26] : memref<2600000xf32, #tpu.memory_space<hbm>> -> memref<2600000xf32, #tpu.memory_space<hbm>>
      tpu.enqueue_indirect_dma source(%dma_start3A_27 : memref<2600000xf32, #tpu.memory_space<hbm>>) target(%dma_start3A_22 : memref<128xf32, #tpu.memory_space<vmem>>) offsets(%dma_start3A_25 : memref<128xi32, #tpu.memory_space<vmem>>) semaphore(%arg14 : memref<!tpu.dma_semaphore, #tpu.memory_space<semaphore_mem>>)
    }
    %scan3A_7 = arith.constant 26 : i32
    %scan3A_8 = arith.constant 0 : i32
    %scan3A_9 = arith.constant 0 : i32
    %scan3A_10 = arith.constant 13 : i32
    %scan3A_11 = arith.addi %scan3A_9, %scan3A_10 : i32
    %scan3A_12 = arith.constant 1 : i32
    scf.for %scan3A_20 = %scan3A_9 to %scan3A_11 step %scan3A_12  : i32 {
      %mul3A_21 = arith.constant 13 : i32
      %mul3A_22 = arith.muli %add3A, %mul3A_21 : i32
      %add3A_23 = arith.addi %mul3A_22, %scan3A_20 : i32
      %jit3A = arith.constant 16 : i32
      %div3A = arith.divsi %add3A_23, %jit3A : i32
      %sign3A = arith.constant 0 : i32
      %sign3A_24 = arith.cmpi sgt, %add3A_23, %sign3A : i32
      %sign3A_25 = arith.extui %sign3A_24 : i1 to i32
      %sign3A_26 = arith.constant 0 : i32
      %sign3A_27 = arith.cmpi slt, %add3A_23, %sign3A_26 : i32
      %sign3A_28 = arith.extui %sign3A_27 : i1 to i32
      %sign3A_29 = arith.subi %sign3A_25, %sign3A_28 : i32
      %sign3A_30 = arith.constant 0 : i32
      %sign3A_31 = arith.cmpi sgt, %jit3A, %sign3A_30 : i32
      %sign3A_32 = arith.extui %sign3A_31 : i1 to i32
      %sign3A_33 = arith.constant 0 : i32
      %sign3A_34 = arith.cmpi slt, %jit3A, %sign3A_33 : i32
      %sign3A_35 = arith.extui %sign3A_34 : i1 to i32
      %sign3A_36 = arith.subi %sign3A_32, %sign3A_35 : i32
      %ne3A = arith.cmpi ne, %sign3A_29, %sign3A_36 : i32
      %rem3A = arith.remsi %add3A_23, %jit3A : i32
      %ne3A_37 = arith.constant 0 : i32
      %ne3A_38 = arith.cmpi ne, %rem3A, %ne3A_37 : i32
      %and3A = arith.andi %ne3A, %ne3A_38 : i1
      %sub3A = arith.constant 1 : i32
      %sub3A_39 = arith.subi %div3A, %sub3A : i32
      %select_n3A = arith.select %and3A, %sub3A_39, %div3A : i32
      %jit3A_40 = arith.constant 16 : i32
      %eq3A = arith.constant 0 : i32
      %eq3A_41 = arith.cmpi eq, %jit3A_40, %eq3A : i32
      %jit3A_42 = arith.constant 1 : i32
      %select_n3A_43 = arith.select %eq3A_41, %jit3A_42, %jit3A_40 : i32
      %rem3A_44 = arith.remsi %add3A_23, %select_n3A_43 : i32
      %ne3A_45 = arith.constant 0 : i32
      %ne3A_46 = arith.cmpi ne, %rem3A_44, %ne3A_45 : i32
      %lt3A = arith.constant 0 : i32
      %lt3A_47 = arith.cmpi slt, %rem3A_44, %lt3A : i32
      %lt3A_48 = arith.constant 0 : i32
      %lt3A_49 = arith.cmpi slt, %select_n3A_43, %lt3A_48 : i32
      %ne3A_50 = arith.xori %lt3A_47, %lt3A_49 : i1
      %and3A_51 = arith.andi %ne3A_50, %ne3A_46 : i1
      %add3A_52 = arith.addi %rem3A_44, %select_n3A_43 : i32
      %select_n3A_53 = arith.select %and3A_51, %add3A_52, %rem3A_44 : i32
      "tpu.region"() ({
        %run_scoped3A = tpu.sem_alloc : memref<!tpu.dma_semaphore, #tpu.memory_space<semaphore_mem>>
        %dma_start3A = arith.constant 0 : i32
        %dma_start3A_60 = tpu.memref_slice %arg4[%select_n3A, %select_n3A_53, %dma_start3A] : memref<26x16x100000xf32, #tpu.memory_space<hbm>> -> memref<1x1x100000xf32, #tpu.memory_space<hbm>>
        %dma_start3A_61 = tpu.memref_squeeze %dma_start3A_60 : memref<1x1x100000xf32, #tpu.memory_space<hbm>> -> memref<100000xf32, #tpu.memory_space<hbm>>
        %dma_start3A_62 = arith.constant 0 : i32
        %dma_start3A_63 = tpu.memref_slice %arg4[%select_n3A, %select_n3A_53, %dma_start3A_62] : memref<26x16x100000xf32, #tpu.memory_space<hbm>> -> memref<1x1x100000xf32, #tpu.memory_space<hbm>>
        %dma_start3A_64 = tpu.memref_squeeze %dma_start3A_63 : memref<1x1x100000xf32, #tpu.memory_space<hbm>> -> memref<100000xf32, #tpu.memory_space<hbm>>
        tpu.enqueue_dma source(%dma_start3A_64 : memref<100000xf32, #tpu.memory_space<hbm>>) target(%arg8 : memref<100000xf32, #tpu.memory_space<vmem>>) target_semaphore(%run_scoped3A : memref<!tpu.dma_semaphore, #tpu.memory_space<semaphore_mem>>)
        %dma_wait3A = arith.constant 0 : i32
        %dma_wait3A_65 = tpu.memref_slice %arg4[%select_n3A, %select_n3A_53, %dma_wait3A] : memref<26x16x100000xf32, #tpu.memory_space<hbm>> -> memref<1x1x100000xf32, #tpu.memory_space<hbm>>
        %dma_wait3A_66 = tpu.memref_squeeze %dma_wait3A_65 : memref<1x1x100000xf32, #tpu.memory_space<hbm>> -> memref<100000xf32, #tpu.memory_space<hbm>>
        %dma_wait3A_67 = arith.constant 0 : i32
        %dma_wait3A_68 = tpu.memref_slice %arg4[%select_n3A, %select_n3A_53, %dma_wait3A_67] : memref<26x16x100000xf32, #tpu.memory_space<hbm>> -> memref<1x1x100000xf32, #tpu.memory_space<hbm>>
        %dma_wait3A_69 = tpu.memref_squeeze %dma_wait3A_68 : memref<1x1x100000xf32, #tpu.memory_space<hbm>> -> memref<100000xf32, #tpu.memory_space<hbm>>
        tpu.wait_dma2 semaphore(%run_scoped3A : memref<!tpu.dma_semaphore, #tpu.memory_space<semaphore_mem>>) src(%dma_wait3A_69 : memref<100000xf32, #tpu.memory_space<hbm>>) dst(%arg8 : memref<100000xf32, #tpu.memory_space<vmem>>)
        tpu.yield
      }) : () -> ()
      "tpu.region"() ({
        %run_scoped3A = tpu.sem_alloc : memref<!tpu.dma_semaphore, #tpu.memory_space<semaphore_mem>>
        %dma_start3A = arith.constant 0 : i32
        %dma_start3A_60 = tpu.memref_slice %arg2[%select_n3A, %dma_start3A] : memref<26x4096xi32, #tpu.memory_space<hbm>> -> memref<1x4096xi32, #tpu.memory_space<hbm>>
        %dma_start3A_61 = tpu.memref_squeeze %dma_start3A_60 : memref<1x4096xi32, #tpu.memory_space<hbm>> -> memref<4096xi32, #tpu.memory_space<hbm>>
        %dma_start3A_62 = arith.constant 0 : i32
        %dma_start3A_63 = tpu.memref_slice %arg2[%select_n3A, %dma_start3A_62] : memref<26x4096xi32, #tpu.memory_space<hbm>> -> memref<1x4096xi32, #tpu.memory_space<hbm>>
        %dma_start3A_64 = tpu.memref_squeeze %dma_start3A_63 : memref<1x4096xi32, #tpu.memory_space<hbm>> -> memref<4096xi32, #tpu.memory_space<hbm>>
        tpu.enqueue_dma source(%dma_start3A_64 : memref<4096xi32, #tpu.memory_space<hbm>>) target(%arg9 : memref<4096xi32, #tpu.memory_space<vmem>>) target_semaphore(%run_scoped3A : memref<!tpu.dma_semaphore, #tpu.memory_space<semaphore_mem>>)
        %dma_wait3A = arith.constant 0 : i32
        %dma_wait3A_65 = tpu.memref_slice %arg2[%select_n3A, %dma_wait3A] : memref<26x4096xi32, #tpu.memory_space<hbm>> -> memref<1x4096xi32, #tpu.memory_space<hbm>>
        %dma_wait3A_66 = tpu.memref_squeeze %dma_wait3A_65 : memref<1x4096xi32, #tpu.memory_space<hbm>> -> memref<4096xi32, #tpu.memory_space<hbm>>
        %dma_wait3A_67 = arith.constant 0 : i32
        %dma_wait3A_68 = tpu.memref_slice %arg2[%select_n3A, %dma_wait3A_67] : memref<26x4096xi32, #tpu.memory_space<hbm>> -> memref<1x4096xi32, #tpu.memory_space<hbm>>
        %dma_wait3A_69 = tpu.memref_squeeze %dma_wait3A_68 : memref<1x4096xi32, #tpu.memory_space<hbm>> -> memref<4096xi32, #tpu.memory_space<hbm>>
        tpu.wait_dma2 semaphore(%run_scoped3A : memref<!tpu.dma_semaphore, #tpu.memory_space<semaphore_mem>>) src(%dma_wait3A_69 : memref<4096xi32, #tpu.memory_space<hbm>>) dst(%arg9 : memref<4096xi32, #tpu.memory_space<vmem>>)
        tpu.yield
      }) : () -> ()
      %scan3A_54 = arith.constant 0 : i32
      %scan3A_55 = arith.constant 0 : i32
      %scan3A_56 = arith.constant 256 : i32
      %scan3A_57 = arith.addi %scan3A_55, %scan3A_56 : i32
      %scan3A_58 = arith.constant 1 : i32
      scf.for %scan3A_60 = %scan3A_55 to %scan3A_57 step %scan3A_58  : i32 {
        %mul3A_61 = arith.constant 16 : i32
        %mul3A_62 = arith.muli %scan3A_60, %mul3A_61 : i32
        %multiple_of3A_63 = tpu.assume_multiple %mul3A_62, 16 : i32
        %get3A = arith.index_cast %multiple_of3A_63 : i32 to index
        %get3A_64 = tpu.vector_load %arg9[%get3A] {strides = array<i32>} : memref<4096xi32, #tpu.memory_space<vmem>>, vector<16xi32>,
        %gather3A = tpu.vector_load_idx %arg8[%get3A_64] : memref<100000xf32, #tpu.memory_space<vmem>>[vector<16xi32>], vector<16xf32>,
        %swap3A = arith.index_cast %multiple_of3A_63 : i32 to index
        %swap3A_65 = tpu.vector_load %arg10[%swap3A] {strides = array<i32>} : memref<4096xf32, #tpu.memory_space<vmem>>, vector<16xf32>,
        tpu.vector_store %arg10[%swap3A], %gather3A {strides = array<i32>} : memref<4096xf32, #tpu.memory_space<vmem>>, vector<16xf32>,
      }
      %scan3A_59 = arith.constant 256 : i32
      "tpu.region"() ({
        %run_scoped3A = tpu.sem_alloc : memref<!tpu.dma_semaphore, #tpu.memory_space<semaphore_mem>>
        %dma_start3A = arith.constant 0 : i32
        %dma_start3A_60 = tpu.memref_slice %arg6[%add3A_23, %dma_start3A] : memref<416x4096xf32, #tpu.memory_space<hbm>> -> memref<1x4096xf32, #tpu.memory_space<hbm>>
        %dma_start3A_61 = tpu.memref_squeeze %dma_start3A_60 : memref<1x4096xf32, #tpu.memory_space<hbm>> -> memref<4096xf32, #tpu.memory_space<hbm>>
        %dma_start3A_62 = arith.constant 0 : i32
        %dma_start3A_63 = tpu.memref_slice %arg6[%add3A_23, %dma_start3A_62] : memref<416x4096xf32, #tpu.memory_space<hbm>> -> memref<1x4096xf32, #tpu.memory_space<hbm>>
        %dma_start3A_64 = tpu.memref_squeeze %dma_start3A_63 : memref<1x4096xf32, #tpu.memory_space<hbm>> -> memref<4096xf32, #tpu.memory_space<hbm>>
        tpu.enqueue_dma source(%arg10 : memref<4096xf32, #tpu.memory_space<vmem>>) target(%dma_start3A_64 : memref<4096xf32, #tpu.memory_space<hbm>>) target_semaphore(%run_scoped3A : memref<!tpu.dma_semaphore, #tpu.memory_space<semaphore_mem>>)
        %dma_wait3A = arith.constant 0 : i32
        %dma_wait3A_65 = tpu.memref_slice %arg6[%add3A_23, %dma_wait3A] : memref<416x4096xf32, #tpu.memory_space<hbm>> -> memref<1x4096xf32, #tpu.memory_space<hbm>>
        %dma_wait3A_66 = tpu.memref_squeeze %dma_wait3A_65 : memref<1x4096xf32, #tpu.memory_space<hbm>> -> memref<4096xf32, #tpu.memory_space<hbm>>
        %dma_wait3A_67 = arith.constant 0 : i32
        %dma_wait3A_68 = tpu.memref_slice %arg6[%add3A_23, %dma_wait3A_67] : memref<416x4096xf32, #tpu.memory_space<hbm>> -> memref<1x4096xf32, #tpu.memory_space<hbm>>
        %dma_wait3A_69 = tpu.memref_squeeze %dma_wait3A_68 : memref<1x4096xf32, #tpu.memory_space<hbm>> -> memref<4096xf32, #tpu.memory_space<hbm>>
        tpu.wait_dma2 semaphore(%run_scoped3A : memref<!tpu.dma_semaphore, #tpu.memory_space<semaphore_mem>>) src(%arg10 : memref<4096xf32, #tpu.memory_space<vmem>>) dst(%dma_wait3A_69 : memref<4096xf32, #tpu.memory_space<hbm>>)
        tpu.yield
      }) : () -> ()
    }
    %scan3A_13 = arith.constant 13 : i32
    %scan3A_14 = arith.constant 0 : i32
    %scan3A_15 = arith.constant 0 : i32
    %scan3A_16 = arith.constant 26 : i32
    %scan3A_17 = arith.addi %scan3A_15, %scan3A_16 : i32
    %scan3A_18 = arith.constant 1 : i32
    scf.for %scan3A_20 = %scan3A_15 to %scan3A_17 step %scan3A_18  : i32 {
      %dma_wait3A = arith.constant 0 : i32
      %dma_wait3A_21 = tpu.memref_slice %arg12[%scan3A_20, %dma_wait3A] : memref<26x128xf32, #tpu.memory_space<vmem>> -> memref<1x128xf32, #tpu.memory_space<vmem>>
      %dma_wait3A_22 = tpu.memref_squeeze %dma_wait3A_21 : memref<1x128xf32, #tpu.memory_space<vmem>> -> memref<128xf32, #tpu.memory_space<vmem>>
      %dma_wait3A_23 = arith.constant 0 : i32
      %dma_wait3A_24 = tpu.memref_slice %arg11[%scan3A_20, %dma_wait3A_23] : memref<26x128xi32, #tpu.memory_space<vmem>> -> memref<1x128xi32, #tpu.memory_space<vmem>>
      %dma_wait3A_25 = tpu.memref_squeeze %dma_wait3A_24 : memref<1x128xi32, #tpu.memory_space<vmem>> -> memref<128xi32, #tpu.memory_space<vmem>>
      %dma_wait3A_26 = arith.constant 0 : i32
      %dma_wait3A_27 = tpu.memref_slice %arg5[%dma_wait3A_26] : memref<2600000xf32, #tpu.memory_space<hbm>> -> memref<2600000xf32, #tpu.memory_space<hbm>>
      tpu.wait_indirect_dma semaphore(%arg14 : memref<!tpu.dma_semaphore, #tpu.memory_space<semaphore_mem>>) src(%dma_wait3A_27 : memref<2600000xf32, #tpu.memory_space<hbm>>) dst(%dma_wait3A_22 : memref<128xf32, #tpu.memory_space<vmem>>)
    }
    %scan3A_19 = arith.constant 26 : i32
    "tpu.region"() ({
      %run_scoped3A = tpu.sem_alloc : memref<!tpu.dma_semaphore, #tpu.memory_space<semaphore_mem>>
      %dma_start3A = arith.constant 0 : i32
      %dma_start3A_20 = tpu.memref_slice %arg7[%dma_start3A, %multiple_of3A] : memref<26x4096xf32, #tpu.memory_space<hbm>> -> memref<26x128xf32, #tpu.memory_space<hbm>>
      %dma_start3A_21 = arith.constant 0 : i32
      %dma_start3A_22 = tpu.memref_slice %arg7[%dma_start3A_21, %multiple_of3A] : memref<26x4096xf32, #tpu.memory_space<hbm>> -> memref<26x128xf32, #tpu.memory_space<hbm>>
      tpu.enqueue_dma source(%arg12 : memref<26x128xf32, #tpu.memory_space<vmem>>) target(%dma_start3A_22 : memref<26x128xf32, #tpu.memory_space<hbm>>) target_semaphore(%run_scoped3A : memref<!tpu.dma_semaphore, #tpu.memory_space<semaphore_mem>>)
      %dma_wait3A = arith.constant 0 : i32
      %dma_wait3A_23 = tpu.memref_slice %arg7[%dma_wait3A, %multiple_of3A] : memref<26x4096xf32, #tpu.memory_space<hbm>> -> memref<26x128xf32, #tpu.memory_space<hbm>>
      %dma_wait3A_24 = arith.constant 0 : i32
      %dma_wait3A_25 = tpu.memref_slice %arg7[%dma_wait3A_24, %multiple_of3A] : memref<26x4096xf32, #tpu.memory_space<hbm>> -> memref<26x128xf32, #tpu.memory_space<hbm>>
      tpu.wait_dma2 semaphore(%run_scoped3A : memref<!tpu.dma_semaphore, #tpu.memory_space<semaphore_mem>>) src(%arg12 : memref<26x128xf32, #tpu.memory_space<vmem>>) dst(%dma_wait3A_25 : memref<26x128xf32, #tpu.memory_space<hbm>>)
      tpu.yield
    }) : () -> ()
    return
  }
}

module attributes {stable_mosaic.version = 14 : i64} {
  func.func @_mlp_body(%arg0: i32, %arg1: memref<416x4096xf32, #tpu.memory_space<vmem>>, %arg2: memref<26x4096xf32, #tpu.memory_space<vmem>>, %arg3: memref<16x416xf32, #tpu.memory_space<vmem>>, %arg4: memref<400x416xf32, #tpu.memory_space<vmem>>, %arg5: memref<400x1xf32, #tpu.memory_space<vmem>>, %arg6: memref<400x400xf32, #tpu.memory_space<vmem>>, %arg7: memref<400x1xf32, #tpu.memory_space<vmem>>, %arg8: memref<1x400xf32, #tpu.memory_space<vmem>>, %arg9: memref<1x1xf32, #tpu.memory_space<vmem>>, %arg10: memref<1x1xf32, #tpu.memory_space<vmem>>, %arg11: memref<1x4096xf32, #tpu.memory_space<vmem>>, %arg12: memref<1x1xf32, #tpu.memory_space<vmem>>, %arg13: memref<1x1xf32, #tpu.memory_space<vmem>>) attributes {dimension_semantics = [#tpu.dimension_semantics<arbitrary>], iteration_bounds = array<i64: 1>, scalar_prefetch = 0 : i64, scratch_operands = 1 : i64, tpu.core_type = #tpu.core_type<tc>, window_params = [{transform_indices = @transform_0, window_bounds = array<i64: 416, 4096>}, {transform_indices = @transform_1, window_bounds = array<i64: 26, 4096>}, {pipeline_mode = #tpu.pipeline_mode<synchronous>, transform_indices = @transform_2, window_bounds = array<i64: 16, 416>}, {pipeline_mode = #tpu.pipeline_mode<synchronous>, transform_indices = @transform_3, window_bounds = array<i64: 400, 416>}, {pipeline_mode = #tpu.pipeline_mode<synchronous>, transform_indices = @transform_4, window_bounds = array<i64: 400, 1>}, {pipeline_mode = #tpu.pipeline_mode<synchronous>, transform_indices = @transform_5, window_bounds = array<i64: 400, 400>}, {pipeline_mode = #tpu.pipeline_mode<synchronous>, transform_indices = @transform_6, window_bounds = array<i64: 400, 1>}, {pipeline_mode = #tpu.pipeline_mode<synchronous>, transform_indices = @transform_7, window_bounds = array<i64: 1, 400>}, {pipeline_mode = #tpu.pipeline_mode<synchronous>, transform_indices = @transform_8, window_bounds = array<i64: 1, 1>}, {pipeline_mode = #tpu.pipeline_mode<synchronous>, transform_indices = @transform_9, window_bounds = array<i64: 1, 1>}, {transform_indices = @transform_10, window_bounds = array<i64: 1, 4096>}, {pipeline_mode = #tpu.pipeline_mode<synchronous>, transform_indices = @transform_11, window_bounds = array<i64: 1, 1>}]} {
    %get3A = arith.constant 0 : index
    %get3A_0 = arith.constant 0 : index
    %get3A_1 = vector.load %arg1[%get3A, %get3A_0] : memref<416x4096xf32, #tpu.memory_space<vmem>>, vector<416x4096xf32>
    %get3A_2 = arith.constant 0 : index
    %get3A_3 = arith.constant 0 : index
    %get3A_4 = vector.load %arg3[%get3A_2, %get3A_3] : memref<16x416xf32, #tpu.memory_space<vmem>>, vector<16x416xf32>
    %dot_general3A = arith.constant dense<0.000000e+00> : vector<16x4096xf32>
    %dot_general3A_5 = tpu.matmul %get3A_4, %get3A_1, %dot_general3A {dimension_numbers = #tpu.dot_dimension_numbers<[1], [0], [0], [1], [0, 0, 1, 1], [], []>, precision = #tpu.contract_precision<fp32>, transpose_lhs_hint = false} : vector<16x416xf32>, vector<416x4096xf32>, vector<16x4096xf32> -> vector<16x4096xf32>
    %mul3A = arith.mulf %dot_general3A_5, %dot_general3A_5 : vector<16x4096xf32>
    %reduce_sum3A = vector.shape_cast %mul3A : vector<16x4096xf32> to vector<1x16x4096xf32>
    %reduce_sum3A_6 = arith.constant dense<0.000000e+00> : vector<1xf32>
    %reduce_sum3A_7 = vector.multi_reduction <add>, %reduce_sum3A, %reduce_sum3A_6 [1, 2] : vector<1x16x4096xf32> to vector<1xf32>
    %reduce_sum3A_8 = vector.shape_cast %reduce_sum3A_7 : vector<1xf32> to vector<1x1x1xf32>
    %reduce_sum3A_9 = vector.extract %reduce_sum3A_8[0, 0, 0] : f32 from vector<1x1x1xf32>
    %broadcast_in_dim3A = vector.broadcast %reduce_sum3A_9 : f32 to vector<1x1xf32>
    %mul3A_10 = arith.mulf %get3A_1, %get3A_1 : vector<416x4096xf32>
    %reduce_sum3A_11 = vector.shape_cast %mul3A_10 : vector<416x4096xf32> to vector<1x416x4096xf32>
    %reduce_sum3A_12 = arith.constant dense<0.000000e+00> : vector<1xf32>
    %reduce_sum3A_13 = vector.multi_reduction <add>, %reduce_sum3A_11, %reduce_sum3A_12 [1, 2] : vector<1x416x4096xf32> to vector<1xf32>
    %reduce_sum3A_14 = vector.shape_cast %reduce_sum3A_13 : vector<1xf32> to vector<1x1x1xf32>
    %reduce_sum3A_15 = vector.extract %reduce_sum3A_14[0, 0, 0] : f32 from vector<1x1x1xf32>
    %broadcast_in_dim3A_16 = vector.broadcast %reduce_sum3A_15 : f32 to vector<1x1xf32>
    %sub3A = arith.subf %broadcast_in_dim3A, %broadcast_in_dim3A_16 : vector<1x1xf32>
    %mul3A_17 = arith.constant 5.000000e-01 : f32
    %mul3A_18 = vector.broadcast %mul3A_17 : f32 to vector<1x1xf32>
    %mul3A_19 = arith.mulf %mul3A_18, %sub3A : vector<1x1xf32>
    %eq3A = arith.constant 0 : i32
    %eq3A_20 = arith.cmpi eq, %arg0, %eq3A : i32
    %convert_element_type3A = arith.extui %eq3A_20 : i1 to i32
    %cond3A = arith.constant 0 : i32
    %cond3A_21 = arith.cmpi ne, %convert_element_type3A, %cond3A : i32
    scf.if %cond3A_21 {
      %broadcast_in_dim3A_89 = arith.constant 0.000000e+00 : f32
      %broadcast_in_dim3A_90 = vector.broadcast %broadcast_in_dim3A_89 : f32 to vector<1x1xf32>
      %swap3A_91 = arith.constant 0 : index
      %swap3A_92 = arith.constant 0 : index
      %swap3A_93 = vector.load %arg13[%swap3A_91, %swap3A_92] : memref<1x1xf32, #tpu.memory_space<vmem>>, vector<1x1xf32>
      tpu.vector_store %arg13[%swap3A_91, %swap3A_92], %broadcast_in_dim3A_90 {strides = array<i32>} : memref<1x1xf32, #tpu.memory_space<vmem>>, vector<1x1xf32>,
    } else {
    }
    %get3A_22 = arith.constant 0 : index
    %get3A_23 = arith.constant 0 : index
    %get3A_24 = vector.load %arg13[%get3A_22, %get3A_23] : memref<1x1xf32, #tpu.memory_space<vmem>>, vector<1x1xf32>
    %add3A = arith.addf %get3A_24, %mul3A_19 : vector<1x1xf32>
    %swap3A = arith.constant 0 : index
    %swap3A_25 = arith.constant 0 : index
    %swap3A_26 = vector.load %arg13[%swap3A, %swap3A_25] : memref<1x1xf32, #tpu.memory_space<vmem>>, vector<1x1xf32>
    tpu.vector_store %arg13[%swap3A, %swap3A_25], %add3A {strides = array<i32>} : memref<1x1xf32, #tpu.memory_space<vmem>>, vector<1x1xf32>,
    %convert_element_type3A_27 = arith.truncf %get3A_1 : vector<416x4096xf32> to vector<416x4096xbf16>
    %get3A_28 = arith.constant 0 : index
    %get3A_29 = arith.constant 0 : index
    %get3A_30 = vector.load %arg4[%get3A_28, %get3A_29] : memref<400x416xf32, #tpu.memory_space<vmem>>, vector<400x416xf32>
    %convert_element_type3A_31 = arith.truncf %get3A_30 : vector<400x416xf32> to vector<400x416xbf16>
    %dot_general3A_32 = arith.constant dense<0.000000e+00> : vector<400x4096xf32>
    %dot_general3A_33 = tpu.matmul %convert_element_type3A_31, %convert_element_type3A_27, %dot_general3A_32 {dimension_numbers = #tpu.dot_dimension_numbers<[1], [0], [0], [1], [0, 0, 1, 1], [], []>, transpose_lhs_hint = false} : vector<400x416xbf16>, vector<416x4096xbf16>, vector<400x4096xf32> -> vector<400x4096xf32>
    %get3A_34 = arith.constant 0 : index
    %get3A_35 = arith.constant 0 : index
    %get3A_36 = vector.load %arg5[%get3A_34, %get3A_35] : memref<400x1xf32, #tpu.memory_space<vmem>>, vector<400x1xf32>
    %add3A_37 = vector.broadcast %get3A_36 : vector<400x1xf32> to vector<400x4096xf32>
    %add3A_38 = arith.addf %dot_general3A_33, %add3A_37 : vector<400x4096xf32>
    %max3A = arith.constant 0.000000e+00 : f32
    %max3A_39 = vector.broadcast %max3A : f32 to vector<400x4096xf32>
    %max3A_40 = arith.maximumf %add3A_38, %max3A_39 : vector<400x4096xf32>
    %get3A_41 = arith.constant 0 : index
    %get3A_42 = arith.constant 0 : index
    %get3A_43 = vector.load %arg6[%get3A_41, %get3A_42] : memref<400x400xf32, #tpu.memory_space<vmem>>, vector<400x400xf32>
    %convert_element_type3A_44 = arith.truncf %get3A_43 : vector<400x400xf32> to vector<400x400xbf16>
    %convert_element_type3A_45 = arith.truncf %max3A_40 : vector<400x4096xf32> to vector<400x4096xbf16>
    %dot_general3A_46 = arith.constant dense<0.000000e+00> : vector<400x4096xf32>
    %dot_general3A_47 = tpu.matmul %convert_element_type3A_44, %convert_element_type3A_45, %dot_general3A_46 {dimension_numbers = #tpu.dot_dimension_numbers<[1], [0], [0], [1], [0, 0, 1, 1], [], []>, transpose_lhs_hint = false} : vector<400x400xbf16>, vector<400x4096xbf16>, vector<400x4096xf32> -> vector<400x4096xf32>
    %get3A_48 = arith.constant 0 : index
    %get3A_49 = arith.constant 0 : index
    %get3A_50 = vector.load %arg7[%get3A_48, %get3A_49] : memref<400x1xf32, #tpu.memory_space<vmem>>, vector<400x1xf32>
    %add3A_51 = vector.broadcast %get3A_50 : vector<400x1xf32> to vector<400x4096xf32>
    %add3A_52 = arith.addf %dot_general3A_47, %add3A_51 : vector<400x4096xf32>
    %max3A_53 = arith.constant 0.000000e+00 : f32
    %max3A_54 = vector.broadcast %max3A_53 : f32 to vector<400x4096xf32>
    %max3A_55 = arith.maximumf %add3A_52, %max3A_54 : vector<400x4096xf32>
    %get3A_56 = arith.constant 0 : index
    %get3A_57 = arith.constant 0 : index
    %get3A_58 = vector.load %arg8[%get3A_56, %get3A_57] : memref<1x400xf32, #tpu.memory_space<vmem>>, vector<1x400xf32>
    %convert_element_type3A_59 = arith.truncf %get3A_58 : vector<1x400xf32> to vector<1x400xbf16>
    %convert_element_type3A_60 = arith.truncf %max3A_55 : vector<400x4096xf32> to vector<400x4096xbf16>
    %dot_general3A_61 = arith.constant dense<0.000000e+00> : vector<1x4096xf32>
    %dot_general3A_62 = tpu.matmul %convert_element_type3A_59, %convert_element_type3A_60, %dot_general3A_61 {dimension_numbers = #tpu.dot_dimension_numbers<[1], [0], [0], [1], [0, 0, 1, 1], [], []>, transpose_lhs_hint = false} : vector<1x400xbf16>, vector<400x4096xbf16>, vector<1x4096xf32> -> vector<1x4096xf32>
    %get3A_63 = arith.constant 0 : index
    %get3A_64 = arith.constant 0 : index
    %get3A_65 = vector.load %arg9[%get3A_63, %get3A_64] : memref<1x1xf32, #tpu.memory_space<vmem>>, vector<1x1xf32>
    %add3A_66 = vector.broadcast %get3A_65 : vector<1x1xf32> to vector<1x4096xf32>
    %add3A_67 = arith.addf %dot_general3A_62, %add3A_66 : vector<1x4096xf32>
    %get3A_68 = arith.constant 0 : index
    %get3A_69 = arith.constant 0 : index
    %get3A_70 = vector.load %arg2[%get3A_68, %get3A_69] : memref<26x4096xf32, #tpu.memory_space<vmem>>, vector<26x4096xf32>
    %reduce_sum3A_71 = arith.constant dense<0.000000e+00> : vector<4096xf32>
    %reduce_sum3A_72 = vector.multi_reduction <add>, %get3A_70, %reduce_sum3A_71 [0] : vector<26x4096xf32> to vector<4096xf32>
    %broadcast_in_dim3A_73 = vector.shape_cast %reduce_sum3A_72 : vector<4096xf32> to vector<1x4096xf32>
    %get3A_74 = arith.constant 0 : index
    %get3A_75 = arith.constant 0 : index
    %get3A_76 = vector.load %arg10[%get3A_74, %get3A_75] : memref<1x1xf32, #tpu.memory_space<vmem>>, vector<1x1xf32>
    %add3A_77 = vector.broadcast %get3A_76 : vector<1x1xf32> to vector<1x4096xf32>
    %add3A_78 = arith.addf %broadcast_in_dim3A_73, %add3A_77 : vector<1x4096xf32>
    %add3A_79 = arith.addf %add3A_78, %add3A_67 : vector<1x4096xf32>
    %swap3A_80 = arith.constant 0 : index
    %swap3A_81 = arith.constant 0 : index
    %swap3A_82 = vector.load %arg11[%swap3A_80, %swap3A_81] : memref<1x4096xf32, #tpu.memory_space<vmem>>, vector<1x4096xf32>
    tpu.vector_store %arg11[%swap3A_80, %swap3A_81], %add3A_79 {strides = array<i32>} : memref<1x4096xf32, #tpu.memory_space<vmem>>, vector<1x4096xf32>,
    %get3A_83 = arith.constant 0 : index
    %get3A_84 = arith.constant 0 : index
    %get3A_85 = vector.load %arg13[%get3A_83, %get3A_84] : memref<1x1xf32, #tpu.memory_space<vmem>>, vector<1x1xf32>
    %swap3A_86 = arith.constant 0 : index
    %swap3A_87 = arith.constant 0 : index
    %swap3A_88 = vector.load %arg12[%swap3A_86, %swap3A_87] : memref<1x1xf32, #tpu.memory_space<vmem>>, vector<1x1xf32>
    tpu.vector_store %arg12[%swap3A_86, %swap3A_87], %get3A_85 {strides = array<i32>} : memref<1x1xf32, #tpu.memory_space<vmem>>, vector<1x1xf32>,
    return
  }
  func.func @transform_0(%arg0: i32) -> (i32, i32) {
    %c0_i32 = arith.constant 0 : i32
    %c0_i32_0 = arith.constant 0 : i32
    return %c0_i32, %arg0 : i32, i32
  }
  func.func @transform_1(%arg0: i32) -> (i32, i32) {
    %c0_i32 = arith.constant 0 : i32
    %c0_i32_0 = arith.constant 0 : i32
    return %c0_i32, %arg0 : i32, i32
  }
  func.func @transform_2(%arg0: i32) -> (i32, i32) {
    %c0_i32 = arith.constant 0 : i32
    %c0_i32_0 = arith.constant 0 : i32
    %c0_i32_1 = arith.constant 0 : i32
    return %c0_i32, %c0_i32_0 : i32, i32
  }
  func.func @transform_3(%arg0: i32) -> (i32, i32) {
    %c0_i32 = arith.constant 0 : i32
    %c0_i32_0 = arith.constant 0 : i32
    %c0_i32_1 = arith.constant 0 : i32
    return %c0_i32, %c0_i32_0 : i32, i32
  }
  func.func @transform_4(%arg0: i32) -> (i32, i32) {
    %c0_i32 = arith.constant 0 : i32
    %c0_i32_0 = arith.constant 0 : i32
    %c0_i32_1 = arith.constant 0 : i32
    return %c0_i32, %c0_i32_0 : i32, i32
  }
  func.func @transform_5(%arg0: i32) -> (i32, i32) {
    %c0_i32 = arith.constant 0 : i32
    %c0_i32_0 = arith.constant 0 : i32
    %c0_i32_1 = arith.constant 0 : i32
    return %c0_i32, %c0_i32_0 : i32, i32
  }
  func.func @transform_6(%arg0: i32) -> (i32, i32) {
    %c0_i32 = arith.constant 0 : i32
    %c0_i32_0 = arith.constant 0 : i32
    %c0_i32_1 = arith.constant 0 : i32
    return %c0_i32, %c0_i32_0 : i32, i32
  }
  func.func @transform_7(%arg0: i32) -> (i32, i32) {
    %c0_i32 = arith.constant 0 : i32
    %c0_i32_0 = arith.constant 0 : i32
    %c0_i32_1 = arith.constant 0 : i32
    return %c0_i32, %c0_i32_0 : i32, i32
  }
  func.func @transform_8(%arg0: i32) -> (i32, i32) {
    %c0_i32 = arith.constant 0 : i32
    %c0_i32_0 = arith.constant 0 : i32
    %c0_i32_1 = arith.constant 0 : i32
    return %c0_i32, %c0_i32_0 : i32, i32
  }
  func.func @transform_9(%arg0: i32) -> (i32, i32) {
    %c0_i32 = arith.constant 0 : i32
    %c0_i32_0 = arith.constant 0 : i32
    %c0_i32_1 = arith.constant 0 : i32
    return %c0_i32, %c0_i32_0 : i32, i32
  }
  func.func @transform_10(%arg0: i32) -> (i32, i32) {
    %c0_i32 = arith.constant 0 : i32
    %c0_i32_0 = arith.constant 0 : i32
    return %c0_i32, %arg0 : i32, i32
  }
  func.func @transform_11(%arg0: i32) -> (i32, i32) {
    %c0_i32 = arith.constant 0 : i32
    %c0_i32_0 = arith.constant 0 : i32
    %c0_i32_1 = arith.constant 0 : i32
    return %c0_i32, %c0_i32_0 : i32, i32
  }
}

</mosaic_0001>

<sc_bundles>
// kernel: kernel.4.cloned.1.call-start
scs
__scs_entry_jumppad:
0x0: {  	(pc) =	sbr.rel $0x88, $3  }
0x1: {  	(tag) =	ssettag $0x0;
	lr =	simm.s32 $0x1  }
0x2: {  	[smem:$0x3F97] =	sst lr;
	_ =	strace $0xD0000000  }
0x3: {  	_ = 	snop  }
0x4: {  	_ = 	snop  }
0x5: {  	_ = 	snop  }
0x6: {  	_ = 	snop  }
0x7: {  	_ = 	snop  }
__scs_overlays_trampoline_lowered:
0x8: {  	[smem:$0x3FA6] =	sst s0  }
0x9: {  	[smem:$0x3FA7] =	sst s1  }
0xa: {  	[smem:$0x3FA8] =	sst s2  }
0xb: {  	[smem:$0x3FA9] =	sst s3  }
0xc: {  	[smem:$0x3FAA] =	sst s4  }
0xd: {  	[smem:$0x3FAB] =	sst s5  }
0xe: {  	[smem:$0x3FAC] =	sst s6  }
0xf: {  	[smem:$0x3FAD] =	sst s7  }
0x10: {  	[smem:$0x3FAE] =	sst s8  }
0x11: {  	[smem:$0x3FAF] =	sst s9;
	s0 =	simm.s32 @!p0 $0x0  }
0x12: {  	s1 =	sld [smem:$0x3F95];
	s0 =	simm.s32 @p0 $0x1  }
0x13: {  	[smem:$0x3FB0] =	sst s0;
	s0 =	simm.s32 @!p1 $0x0  }
0x14: {  	s2 =	sld [smem:$0x3F94];
	s0 =	simm.s32 @p1 $0x1  }
0x15: {  	[smem:$0x3FB1] =	sst s0;
	s0 =	simm.s32 @!p2 $0x0  }
0x16: {  	s3 =	sld [smem:$0x3FDB];
	s0 =	simm.s32 @p2 $0x1  }
0x17: {  	s4 =	simm.s32 $0x1BF5;
	[smem:$0x3FB3] =	sst s0  }
0x18: {  	s0 =	sld [smem:$0x3F96];
	_ =	swait.ge [sflag:s4], $0x0  }
0x19: {  	s7 =	sld [smem:$0x3F97]  }
0x1a: {  	s8 =	sadd.s32 $0xFFFFE003, lr  }
0x1b: {  	s9 =	sadd.s32 $0xFFFFFEF7, lr;
	s5 =	simm.s32 $0xFFFFFFFF;
	p2 =	slt.u32 s8, $0xFFFFF086  }
0x1c: {  	p1 =	slt.u32 s9, $0xF7A;
	s5 =	simm.s32 @!p2 $0x0  }
0x1d: {  	s5 =	simm.s32 @p1 $0x1;
	p0 =	seq.s32 s7, s2  }
0x1e: {  	s7 =	smul.u32 @!p0 $0xF7A, s2;
	p2 =	seq.s32 @!p0 s5, $0x0  }
0x1f: {  	s9 =	smul.u32 $0xF7A, s1;
	s8 =	simm.s32 @!p0 $0x1BF5;
	p2 =	por !p2, p0  }
0x20: {  	[sflag:s8] =	ssyncset.s32 @!p0 $0xFFFFF086;
	s6 =	sadd.s32 @!p0 s3, s7;
	s7 =	simm.s32 @!p0 $0x108  }
0x21: {  	s3 =	sadd.s32 s3, s9;
	s6 =	sadd.s32 @!p0 $0x88, s6;
	s7 =	simm.s32 @p2 $0x1082  }
0x22: {  	[simem:s7], [sflag:s8] =	dma.local @!p0 [hbm:s6], $0xF7A  }
0x23: {  	s9 =	sor.u32 $0xD0000000, s2;
	s6 =	simm.s32 $0x108;
	_ =	swait.ge @!p0 [sflag:s8], $0x0  }
0x24: {  	s3 =	sadd.s32 $0x88, s3;
	s6 =	simm.s32 @!p1 $0x1082;
	[sflag:s4] =	ssyncset.s32 $0xFFFFF086  }
0x25: {  	[simem:s6], [sflag:s4] =	dma.local [hbm:s3], $0xF7A  }
0x26: {  	[smem:$0x3F97] =	sst s1;
	(tag) =	ssettag s2;
	_ =	strace s9  }
0x27: {  	s1 =	sld [smem:$0x3FA7]  }
0x28: {  	s2 =	sld [smem:$0x3FA8]  }
0x29: {  	s4 =	sld [smem:$0x3FAA]  }
0x2a: {  	p0 =	seq.s32 s5, $0x0;
	s5 =	sld [smem:$0x3FAB]  }
0x2b: {  	s6 =	sld [smem:$0x3FAC]  }
0x2c: {  	s7 =	sld [smem:$0x3FAD]  }
0x2d: {  	s3 =	simm.s32 $0x108;
	s8 =	sld [smem:$0x3FAE]  }
0x2e: {  	s3 =	simm.s32 @!p0 $0x1082;
	s9 =	sld [smem:$0x3FAF]  }
0x2f: {  	lr =	sadd.s32 s0, s3;
	s0 =	sld [smem:$0x3FA6]  }
0x30: {  	s3 =	sld [smem:$0x3FA9]  }
0x31: {  	[smem:$0x3FB2] =	sst s10  }
0x32: {  	s10 =	sld [smem:$0x3FB0];
	_ =	sdelay $0x3  }
0x33: {  	p0 =	seq.s32 s10, $0x1;
	s10 =	sld [smem:$0x3FB2];
	_ =	sdelay $0x3  }
0x34: {  	[smem:$0x3FB2] =	sst s10  }
0x35: {  	s10 =	sld [smem:$0x3FB1];
	_ =	sdelay $0x3  }
0x36: {  	p1 =	seq.s32 s10, $0x1;
	s10 =	sld [smem:$0x3FB2];
	_ =	sdelay $0x3  }
0x37: {  	[smem:$0x3FB2] =	sst s10  }
0x38: {  	s10 =	sld [smem:$0x3FB3]  }
0x39: {  	_ = 	snop;
	(pc) =	sbr.ind lr, $3  }
0x3a: {  	_ = 	snop  }
0x3b: {  	_ = 	snop  }
0x3c: {  	p2 =	seq.s32 s10, $0x1;
	s10 =	sld [smem:$0x3FB2]  }
0x3d: {  	_ =	shalt  }
0x3e: {  	_ =	shalt  }
0x3f: {  	_ =	shalt  }
0x40: {  	_ =	shalt  }
0x41: {  	_ =	shalt  }
0x42: {  	_ =	shalt  }
0x43: {  	_ =	shalt  }
0x44: {  	_ =	shalt  }
0x45: {  	_ =	shalt  }
0x46: {  	_ =	shalt  }
0x47: {  	_ =	shalt  }
0x48: {  	_ =	shalt  }
0x49: {  	_ =	shalt  }
0x4a: {  	_ =	shalt  }
0x4b: {  	_ =	shalt  }
0x4c: {  	_ =	shalt  }
0x4d: {  	_ =	shalt  }
0x4e: {  	_ =	shalt  }
0x4f: {  	_ =	shalt  }
0x50: {  	_ =	shalt  }
0x51: {  	_ =	shalt  }
0x52: {  	_ =	shalt  }
0x53: {  	_ =	shalt  }
0x54: {  	_ =	shalt  }
0x55: {  	_ =	shalt  }
0x56: {  	_ =	shalt  }
0x57: {  	_ =	shalt  }
0x58: {  	_ =	shalt  }
0x59: {  	_ =	shalt  }
0x5a: {  	_ =	shalt  }
0x5b: {  	_ =	shalt  }
0x5c: {  	_ =	shalt  }
0x5d: {  	_ =	shalt  }
0x5e: {  	_ =	shalt  }
0x5f: {  	_ =	shalt  }
0x60: {  	_ =	shalt  }
0x61: {  	_ =	shalt  }
0x62: {  	_ =	shalt  }
0x63: {  	_ =	shalt  }
0x64: {  	_ =	shalt  }
0x65: {  	_ =	shalt  }
0x66: {  	_ =	shalt  }
0x67: {  	_ =	shalt  }
0x68: {  	_ =	shalt  }
0x69: {  	_ =	shalt  }
0x6a: {  	_ =	shalt  }
0x6b: {  	_ =	shalt  }
0x6c: {  	_ =	shalt  }
0x6d: {  	_ =	shalt  }
0x6e: {  	_ =	shalt  }
0x6f: {  	_ =	shalt  }
0x70: {  	_ =	shalt  }
0x71: {  	_ =	shalt  }
0x72: {  	_ =	shalt  }
0x73: {  	_ =	shalt  }
0x74: {  	_ =	shalt  }
0x75: {  	_ =	shalt  }
0x76: {  	_ =	shalt  }
0x77: {  	_ =	shalt  }
0x78: {  	_ =	shalt  }
0x79: {  	_ =	shalt  }
0x7a: {  	_ =	shalt  }
0x7b: {  	_ =	shalt  }
0x7c: {  	_ =	shalt  }
0x7d: {  	_ =	shalt  }
0x7e: {  	_ =	shalt  }
0x7f: {  	_ =	shalt  }
0x80: {  	_ =	shalt  }
0x81: {  	_ =	shalt  }
0x82: {  	_ =	shalt  }
0x83: {  	_ =	shalt  }
0x84: {  	_ =	shalt  }
0x85: {  	_ =	shalt  }
0x86: {  	_ =	shalt  }
0x87: {  	_ =	shalt  }
.Lfunc_end0:
.L_simem_size_0:
called_computation_lowered:
.L_overlay_start_0:
0x88: {  	s2 =	sld [smem:$0x3FD9]  }
0x89: {  	s3 =	sld [smem:$0x3FFE];
	_ =	sdelay $0x1  }
0x8a: {  	s1 =	srdreg.scid  }
0x8b: {  	s0 =	sand.u32 $0x1, s1  }
0x8c: {  	s17 =	sshll.u32 s0, $0xA;
	s2 =	sadd.s32 s3, s2  }
0x8d: {  	s2 =	sadd.s32 s2, s17  }
0x8e: {  	[smem:$0x3FBE] =	sst s2  }
0x8f: {  	_ = 	snop  }
0x90: {  	s2 =	sld [smem:$0x3FC9]  }
0x91: {  	s18 =	sld [smem:$0x3FC8];
	(tm) =	ssettm $0x1  }
0x92: {  	s4 =	sld [smem:$0x3FFB];
	_ =	sdelay $0x3  }
0x93: {  	_ =	strace s4  }
0x94: {  	s4 =	sld [smem:$0x3FFC];
	_ =	sdelay $0x3  }
0x95: {  	_ =	strace s4  }
0x96: {  	s4 =	sld [smem:$0x3FFD];
	_ =	sdelay $0x3  }
0x97: {  	_ =	strace s4  }
0x98: {  	_ =	strace $0x8FFFFFFF  }
0x99: {  	s19 =	sld [smem:$0x3FDB];
	_ =	sdelay $0x1  }
0x9a: {  	s5 =	simm.s32 $_scs_section_size  }
0x9b: {  	s6 =	simm.s32 $_size__tile_overlayer_lowered;
	s7 =	simm.s32 $_tile_overlayer_lowered  }
0x9c: {  	s22 =	simm.s32 $0x1BFF;
	s21 =	sshll.u32 s7, $0x1;
	s4 =	sadd.s32 s5, s19  }
0x9d: {  	s8 =	simm.s32 $0x0;
	s20 =	sshll.u32 s6, $0x1;
	s6 =	sadd.s32 s21, s4  }
0x9e: {  	[timem:s8], [sflag:s22] =	dma.local [hbm:s6], s20  }
0x9f: {  	_ =	swait.ge [sflag:s22], s20  }
0xa0: {  	s5 =	ssub.s32 $0x0, s20;
	[sflag:s22] =	ssyncset.done $0x0  }
0xa1: {  	[sflag:s22] =	ssyncadd.s32 s5;
	_ =	sdelay $0x1  }
0xa2: {  	s23 =	simm.s32 $0x1B8B  }
0xa3: {  	_ =	swait.ge [sflag:s23], $0x1  }
0xa4: {  	[sflag:s23] =	ssyncset.done $0x0  }
0xa5: {  	s25 =	simm.s32 $0x1B8E;
	s24 =	sld [smem:$0x3FFE];
	[sflag:s23] =	ssyncadd.s32 $0xFFFFFFFF  }
0xa6: {  	s26 =	simm.s32 $execute0_lowered;
	[smem:$0x3FD2] =	sst s25  }
0xa7: {  	s6 =	sshll.u32 s26, $0x1;
	_ =	strace $0x80000046;
	[dreg:$0x1] =	wrdreg $0xFFFFFFFF  }
0xa8: {  	s28 =	simm.s32 $_size_execute0_lowered;
	s4 =	sadd.s32 s4, s6;
	[dreg:$0x0] =	wrdreg $0x0  }
0xa9: {  	s6 =	sshll.u32 s28, $0x1;
	[dreg:$0x2] =	wrdreg s4  }
0xaa: {  	[dreg:$0x3] =	wrdreg s6  }
0xab: {  	[dreg:$0x4] =	wrdreg $0xC0  }
0xac: {  	_ =	task [dreg:s8], $0x5FFFF  }
0xad: {  	[dreg:$0x1] =	wrdreg $0xFFFFFFFF  }
0xae: {  	[dreg:$0x0] =	wrdreg $0x60  }
0xaf: {  	[dreg:$0x2] =	wrdreg s2  }
0xb0: {  	[dreg:$0x3] =	wrdreg s24  }
0xb1: {  	[dreg:$0x4] =	wrdreg s18  }
0xb2: {  	[dreg:$0x5] =	wrdreg $0x9  }
0xb3: {  	_ =	task.clear_ibuf [dreg:s8], $0x6FFFF;
	_ =	strace $0x90000046  }
0xb4: {  	s29 =	simm.s32 $0x9;
	_ =	strace $0x80000048  }
0xb5: {  	_ =	swait.ge [sflag:s29], $0x1  }
0xb6: {  	[sflag:s29] =	ssyncadd.s32 $0xFFFFFFFF  }
0xb7: {  	_ =	strace $0x90000048  }
0xb8: {  	_ =	sfence  }
0xb9: {  	s30 =	sld [smem:$0x0];
	_ =	sdelay $0x2  }
0xba: {  	s31 =	sshll.u32 s1, $0xD;
	s1 =	sshrl.u32 s1, $0x2  }
0xbb: {  	s3 =	sand.u32 $0x4000, s31;
	s1 =	sadd.s32 s1, s30  }
0xbc: {  	s0 =	sor.u32 s3, s0;
	s1 =	sshll.u32 s1, $0x11  }
0xbd: {  	s0 =	sor.u32 s1, s0  }
0xbe: {  	s0 =	sadd.s32 $0x8F2B, s0  }
0xbf: {  	[sflag:s0] =	ssyncadd.remote.s32 $0x1  }
0xc0: {  	_ =	sfence.sel $0xFFFF  }
0xc1: {  	[dreg:$0x0] =	wrdreg $0xFFFFFFFF;
	(pc) =	sbr.abs _section_cstart, $3  }
0xc2: {  	[dreg:$0x1] =	wrdreg $0xFFFFFFFF  }
0xc3: {  	_ =	task.clear_ibuf [dreg:s8], $0x2FFFF;
	_ =	strace $0x9FFFFFFF  }
0xc4: {  	(tm) =	ssettm $0x7FFFFFFF  }
0xc5: {  	_ =	shalt  }
tec
execute0_lowered:
.L_overlay_start_1:
0x0: {  	(tag) =	ssettag $0x1  }
0x1: {  	s1 =	rddreg [dreg:$0x0]  }
0x2: {  	s0 =	rddreg [dreg:$0x1]  }
0x3: {  	s3 =	rddreg [dreg:$0x2]  }
0x4: {  	s4 =	simm.s32 $0x0;
	s2 =	srdreg.scid;
	s5 =	stileid.u32  }
0x5: {  	s12 =	simm.s32 $0x400;
	s13 =	simm.s32 $0x8000;
	s14 =	simm.s32 $0x1A700  }
0x6: {  	s15 =	simm.s32 $0x1B300;
	s16 =	simm.s32 $0x2;
	s17 =	simm.s32 $0x80  }
0x7: {  	s18 =	simm.s32 $0x1B700;
	s21 =	simm.s32 $0x1B280;
	s22 =	simm.s32 $0x1C280  }
0x8: {  	s23 =	simm.s32 $0x1C300;
	s24 =	simm.s32 $0x1B380;
	s25 =	simm.s32 $0x1C380  }
0x9: {  	s26 =	simm.s32 $0x18700;
	s28 =	simm.s32 $0x19700;
	s29 =	simm.s32 $0x1  }
0xa: {  	s30 =	simm.s32 $0x0;
	s2 =	sand.u32 $0x1, s2;
	s5 =	sshll.u32 s5, $0x1  }
0xb: {  	[smem:$0x7FF] =	sst s4;
	s6 =	sadd.s32 $0x54C00, s0;
	s9 =	sor.u32 s2, s5  }
0xc: {  	_ =	strace $0x80000047;
	s2 =	ssub.s32 $0x2, s2;
	s7 =	sshll.u32 s9, $0x7  }
0xd: {  	s5 =	sadd.s32 $0x1600, s0;
	s31 =	sshrl.u32 s2, $0x1;
	s0 =	sadd.s32 s7, s0  }
0xe: {  	s9 =	smul.u32 $0xD, s9;
	s2 =	ssub.s32 s2, s31;
	s7 =	sadd.s32 $0x50C00, s0  }
0xf: {  	s8 =	sadd.s32 $0x53C00, s0;
	s10 =	sadd.s32 $0x88C00, s0;
	s11 =	smax.u32 s2, $0x1  }
.LBB2_1:
0x10: {  	[tilespmem:s14], [sflag:$0x2] =	stream.strided.gather [hbm4b:s7+s12], $0xC00, s13, s12, $0x38;
	[tilespmem:$0x1C700] =	vst v63  }
0x11: {  	_ = 	snop  }
0x12: {  	[tilespmem:s15], [sflag:$0x2] =	stream.linear.gather [hbm4b:s8+s4], $0x100, $0x38;
	[tilespmem:$0x1C700] =	vst v63  }
0x13: {  	_ =	swait.ge [sflag:s16], $0xD00  }
0x14: {  	[sflag:s16] =	ssyncset.done $0x0  }
0x15: {  	[sflag:s16] =	ssyncadd.s32 $0xFFFFF300  }
0x16: {  	[tilespmem:s18], [sflag:$0x1] =	stream.indirect.gather [hbm4b:s5+s17], $0x1, s14, s17, $0xb8;
	[tilespmem:$0x1C700] =	vst v63  }
0x17: {  	s0 =	simm.s32 $0x1A780;
	s2 =	simm.s32 $0x1B780  }
0x18: {  	[tilespmem:s2], [sflag:$0x1] =	stream.indirect.gather [hbm4b:s5+s17], $0x1, s0, s17, $0xb8;
	[tilespmem:$0x1C700] =	vst v63  }
0x19: {  	s19 =	simm.s32 $0x1A800;
	s20 =	simm.s32 $0x1B800  }
0x1a: {  	[tilespmem:s20], [sflag:$0x1] =	stream.indirect.gather [hbm4b:s5+s17], $0x1, s19, s17, $0xb8;
	[tilespmem:$0x1C700] =	vst v63  }
0x1b: {  	s19 =	simm.s32 $0x1A880;
	s20 =	simm.s32 $0x1B880  }
0x1c: {  	[tilespmem:s20], [sflag:$0x1] =	stream.indirect.gather [hbm4b:s5+s17], $0x1, s19, s17, $0xb8;
	[tilespmem:$0x1C700] =	vst v63  }
0x1d: {  	s19 =	simm.s32 $0x1A900;
	s20 =	simm.s32 $0x1B900  }
0x1e: {  	[tilespmem:s20], [sflag:$0x1] =	stream.indirect.gather [hbm4b:s5+s17], $0x1, s19, s17, $0xb8;
	[tilespmem:$0x1C700] =	vst v63  }
0x1f: {  	s19 =	simm.s32 $0x1A980;
	s20 =	simm.s32 $0x1B980  }
0x20: {  	[tilespmem:s20], [sflag:$0x1] =	stream.indirect.gather [hbm4b:s5+s17], $0x1, s19, s17, $0xb8;
	[tilespmem:$0x1C700] =	vst v63  }
0x21: {  	s19 =	simm.s32 $0x1AA00;
	s20 =	simm.s32 $0x1BA00  }
0x22: {  	[tilespmem:s20], [sflag:$0x1] =	stream.indirect.gather [hbm4b:s5+s17], $0x1, s19, s17, $0xb8;
	[tilespmem:$0x1C700] =	vst v63  }
0x23: {  	s19 =	simm.s32 $0x1AA80;
	s20 =	simm.s32 $0x1BA80  }
0x24: {  	[tilespmem:s20], [sflag:$0x1] =	stream.indirect.gather [hbm4b:s5+s17], $0x1, s19, s17, $0xb8;
	[tilespmem:$0x1C700] =	vst v63  }
0x25: {  	s19 =	simm.s32 $0x1AB00;
	s20 =	simm.s32 $0x1BB00  }
0x26: {  	[tilespmem:s20], [sflag:$0x1] =	stream.indirect.gather [hbm4b:s5+s17], $0x1, s19, s17, $0xb8;
	[tilespmem:$0x1C700] =	vst v63  }
0x27: {  	s19 =	simm.s32 $0x1AB80;
	s20 =	simm.s32 $0x1BB80  }
0x28: {  	[tilespmem:s20], [sflag:$0x1] =	stream.indirect.gather [hbm4b:s5+s17], $0x1, s19, s17, $0xb8;
	[tilespmem:$0x1C700] =	vst v63  }
0x29: {  	s19 =	simm.s32 $0x1AC00;
	s20 =	simm.s32 $0x1BC00  }
0x2a: {  	[tilespmem:s20], [sflag:$0x1] =	stream.indirect.gather [hbm4b:s5+s17], $0x1, s19, s17, $0xb8;
	[tilespmem:$0x1C700] =	vst v63  }
0x2b: {  	s19 =	simm.s32 $0x1AC80;
	s20 =	simm.s32 $0x1BC80  }
0x2c: {  	[tilespmem:s20], [sflag:$0x1] =	stream.indirect.gather [hbm4b:s5+s17], $0x1, s19, s17, $0xb8;
	[tilespmem:$0x1C700] =	vst v63  }
0x2d: {  	s19 =	simm.s32 $0x1AD00;
	s20 =	simm.s32 $0x1BD00  }
0x2e: {  	[tilespmem:s20], [sflag:$0x1] =	stream.indirect.gather [hbm4b:s5+s17], $0x1, s19, s17, $0xb8;
	[tilespmem:$0x1C700] =	vst v63  }
0x2f: {  	s19 =	simm.s32 $0x1AD80;
	s20 =	simm.s32 $0x1BD80  }
0x30: {  	[tilespmem:s20], [sflag:$0x1] =	stream.indirect.gather [hbm4b:s5+s17], $0x1, s19, s17, $0xb8;
	[tilespmem:$0x1C700] =	vst v63  }
0x31: {  	s19 =	simm.s32 $0x1AE00;
	s20 =	simm.s32 $0x1BE00  }
0x32: {  	[tilespmem:s20], [sflag:$0x1] =	stream.indirect.gather [hbm4b:s5+s17], $0x1, s19, s17, $0xb8;
	[tilespmem:$0x1C700] =	vst v63  }
0x33: {  	s19 =	simm.s32 $0x1AE80;
	s20 =	simm.s32 $0x1BE80  }
0x34: {  	[tilespmem:s20], [sflag:$0x1] =	stream.indirect.gather [hbm4b:s5+s17], $0x1, s19, s17, $0xb8;
	[tilespmem:$0x1C700] =	vst v63  }
0x35: {  	s19 =	simm.s32 $0x1AF00;
	s20 =	simm.s32 $0x1BF00  }
0x36: {  	[tilespmem:s20], [sflag:$0x1] =	stream.indirect.gather [hbm4b:s5+s17], $0x1, s19, s17, $0xb8;
	[tilespmem:$0x1C700] =	vst v63  }
0x37: {  	s19 =	simm.s32 $0x1AF80;
	s20 =	simm.s32 $0x1BF80  }
0x38: {  	[tilespmem:s20], [sflag:$0x1] =	stream.indirect.gather [hbm4b:s5+s17], $0x1, s19, s17, $0xb8;
	[tilespmem:$0x1C700] =	vst v63  }
0x39: {  	s19 =	simm.s32 $0x1B000;
	s20 =	simm.s32 $0x1C000  }
0x3a: {  	[tilespmem:s20], [sflag:$0x1] =	stream.indirect.gather [hbm4b:s5+s17], $0x1, s19, s17, $0xb8;
	[tilespmem:$0x1C700] =	vst v63  }
0x3b: {  	s19 =	simm.s32 $0x1B080;
	s20 =	simm.s32 $0x1C080  }
0x3c: {  	[tilespmem:s20], [sflag:$0x1] =	stream.indirect.gather [hbm4b:s5+s17], $0x1, s19, s17, $0xb8;
	[tilespmem:$0x1C700] =	vst v63  }
0x3d: {  	s19 =	simm.s32 $0x1B100;
	s20 =	simm.s32 $0x1C100  }
0x3e: {  	[tilespmem:s20], [sflag:$0x1] =	stream.indirect.gather [hbm4b:s5+s17], $0x1, s19, s17, $0xb8;
	[tilespmem:$0x1C700] =	vst v63  }
0x3f: {  	s19 =	simm.s32 $0x1B180;
	s20 =	simm.s32 $0x1C180  }
0x40: {  	[tilespmem:s20], [sflag:$0x1] =	stream.indirect.gather [hbm4b:s5+s17], $0x1, s19, s17, $0xb8;
	[tilespmem:$0x1C700] =	vst v63  }
0x41: {  	s19 =	simm.s32 $0x1B200;
	s20 =	simm.s32 $0x1C200  }
0x42: {  	[tilespmem:s20], [sflag:$0x1] =	stream.indirect.gather [hbm4b:s5+s17], $0x1, s19, s17, $0xb8;
	[tilespmem:$0x1C700] =	vst v63  }
0x43: {  	_ = 	snop  }
0x44: {  	[tilespmem:s22], [sflag:$0x1] =	stream.indirect.gather [hbm4b:s5+s17], $0x1, s21, s17, $0xb8;
	[tilespmem:$0x1C700] =	vst v63  }
0x45: {  	_ = 	snop  }
0x46: {  	[tilespmem:s23], [sflag:$0x1] =	stream.indirect.gather [hbm4b:s5+s17], $0x1, s15, s17, $0xb8;
	[tilespmem:$0x1C700] =	vst v63  }
0x47: {  	s31 =	simm.s32 $0x0  }
0x48: {  	[tilespmem:s25], [sflag:$0x1] =	stream.indirect.gather [hbm4b:s5+s17], $0x1, s24, s17, $0xb8;
	[tilespmem:$0x1C700] =	vst v63  }
.LBB2_2:
0x49: {  	s0 =	sadd.s32 s9, s31  }
0x4a: {  	s2 =	sshrl.u32 s0, $0x4;
	s19 =	sshll.u32 s0, $0x1C  }
0x4b: {  	s2 =	smul.u32 $0x187000, s2;
	s19 =	sshra.s32 s19, $0x1F  }
0x4c: {  	s20 =	sshll.u32 s0, $0x7;
	s19 =	sand.u32 $0xC3800, s19  }
0x4d: {  	s20 =	sand.u32 $0x380, s20;
	s2 =	sadd.s32 s2, s19  }
0x4e: {  	s2 =	sor.u32 s20, s2  }
0x4f: {  	s2 =	sshrl.u32 s2, $0x3  }
0x50: {  	s20 =	simm.s32 $0x0;
	s2 =	sadd.s32 s3, s2  }
0x51: {  	[tilespmem:s20], [sflag:$0x2] =	stream.strided.gather [hbm4b:s2+s17], $0x18700, s12, s17, $0x38;
	[tilespmem:$0x1C700] =	vst v63  }
0x52: {  	s19 =	sshll.u32 s0, $0x5;
	s20 =	sand.u32 $0x70, s0;
	_ =	swait.ge [sflag:s16], $0x18700  }
0x53: {  	s2 =	sand.u32 $0xFFFF000, s19;
	s19 =	sadd.s32 s1, s20;
	[sflag:s16] =	ssyncset.done $0x0  }
0x54: {  	s2 =	sadd.s32 s2, s19;
	[sflag:s16] =	ssyncadd.s32 $0xFFFE7900  }
0x55: {  	[tilespmem:s26], [sflag:$0x2] =	stream.strided.gather [hbm4b:s2+s17], $0x1000, s12, s17, $0x38;
	[tilespmem:$0x1C700] =	vst v63  }
0x56: {  	_ =	swait.ge [sflag:s16], $0x1000  }
0x57: {  	[sflag:s16] =	ssyncset.done $0x0  }
0x58: {  	s19 =	simm.s32 $0x0;
	[sflag:s16] =	ssyncadd.s32 $0xFFFFF000  }
0x59: {  	v0 =	vld [tilespmem:s19+$0x18700];
	_ =	sdelay $0x7  }
0x5a: {  	s20 =	simm.s32 $0x80;
	s2 =	simm.s32 $0x10;
	v0 =	vld.idx.msk [tilespmem:v0+s4+$0x0], $0xffff  }
.LBB2_3:
0x5b: {  	p0 =	sne.s32 s20, $0x3FC0;
	v1 =	vld [tilespmem:s2+$0x18700];
	_ =	sdelay $0x3  }
.Ltmp0:
0x5c: {  	(pc) =	sbr.rel @p0 .LBB2_3-.Ltmp0, $2  }
0x5d: {  	[tilespmem:s19+$0x19700] =	vst v0;
	s19 =	smov.u32 s2;
	_ =	sdelay $0x2  }
0x5e: {  	s2 =	sshra.s32 s20, $0x2;
	s20 =	sadd.s32 $0x40, s20;
	v0 =	vld.idx.msk [tilespmem:v1+s4+$0x0], $0xffff  }
0x5f: {  	v1 =	vld [tilespmem:s2+$0x18700];
	_ =	sdelay $0x6  }
0x60: {  	[tilespmem:s19+$0x19700] =	vst v0  }
0x61: {  	v0 =	vld.idx.msk [tilespmem:v1+s4+$0x0], $0xffff;
	_ =	sdelay $0x1  }
0x62: {  	s19 =	sshll.u32 s0, $0x4  }
0x63: {  	s20 =	sshll.u32 s0, $0x9;
	s31 =	sadd.s32 $0x1, s31;
	s19 =	sand.u32 $0x70, s19  }
0x64: {  	p0 =	sne.s32 s31, $0xD;
	s0 =	sand.u32 $0xFFFF000, s20;
	s19 =	sadd.s32 s6, s19  }
.Ltmp1:
0x65: {  	s0 =	sadd.s32 s0, s19;
	[tilespmem:s2+$0x19700] =	vst v0;
	(pc) =	sbr.rel @p0 .LBB2_2-.Ltmp1, $4  }
0x66: {  	[hbm4b:s0+s17] =	stream.strided.scatter [tilespmem:s28], [sflag:$0x2], $0x1000, s12, s17, $0x38;
	[tilespmem:$0x1C700] =	vst v63  }
0x67: {  	_ =	swait.ge [sflag:s16], $0x1000  }
0x68: {  	[sflag:s16] =	ssyncset.done $0x0  }
0x69: {  	[sflag:s16] =	ssyncadd.s32 $0xFFFFF000  }
0x6a: {  	_ =	swait.ge [sflag:s29], $0x80  }
0x6b: {  	[sflag:s29] =	ssyncset.done $0x0  }
0x6c: {  	[sflag:s29] =	ssyncadd.s32 $0xFFFFFF80  }
0x6d: {  	_ =	swait.ge [sflag:s29], $0x80  }
0x6e: {  	[sflag:s29] =	ssyncset.done $0x0  }
0x6f: {  	[sflag:s29] =	ssyncadd.s32 $0xFFFFFF80  }
0x70: {  	_ =	swait.ge [sflag:s29], $0x80  }
0x71: {  	[sflag:s29] =	ssyncset.done $0x0  }
0x72: {  	[sflag:s29] =	ssyncadd.s32 $0xFFFFFF80  }
0x73: {  	_ =	swait.ge [sflag:s29], $0x80  }
0x74: {  	[sflag:s29] =	ssyncset.done $0x0  }
0x75: {  	[sflag:s29] =	ssyncadd.s32 $0xFFFFFF80  }
0x76: {  	_ =	swait.ge [sflag:s29], $0x80  }
0x77: {  	[sflag:s29] =	ssyncset.done $0x0  }
0x78: {  	[sflag:s29] =	ssyncadd.s32 $0xFFFFFF80  }
0x79: {  	_ =	swait.ge [sflag:s29], $0x80  }
0x7a: {  	[sflag:s29] =	ssyncset.done $0x0  }
0x7b: {  	[sflag:s29] =	ssyncadd.s32 $0xFFFFFF80  }
0x7c: {  	_ =	swait.ge [sflag:s29], $0x80  }
0x7d: {  	[sflag:s29] =	ssyncset.done $0x0  }
0x7e: {  	[sflag:s29] =	ssyncadd.s32 $0xFFFFFF80  }
0x7f: {  	_ =	swait.ge [sflag:s29], $0x80  }
0x80: {  	[sflag:s29] =	ssyncset.done $0x0  }
0x81: {  	[sflag:s29] =	ssyncadd.s32 $0xFFFFFF80  }
0x82: {  	_ =	swait.ge [sflag:s29], $0x80  }
0x83: {  	[sflag:s29] =	ssyncset.done $0x0  }
0x84: {  	[sflag:s29] =	ssyncadd.s32 $0xFFFFFF80  }
0x85: {  	_ =	swait.ge [sflag:s29], $0x80  }
0x86: {  	[sflag:s29] =	ssyncset.done $0x0  }
0x87: {  	[sflag:s29] =	ssyncadd.s32 $0xFFFFFF80  }
0x88: {  	_ =	swait.ge [sflag:s29], $0x80  }
0x89: {  	[sflag:s29] =	ssyncset.done $0x0  }
0x8a: {  	[sflag:s29] =	ssyncadd.s32 $0xFFFFFF80  }
0x8b: {  	_ =	swait.ge [sflag:s29], $0x80  }
0x8c: {  	[sflag:s29] =	ssyncset.done $0x0  }
0x8d: {  	[sflag:s29] =	ssyncadd.s32 $0xFFFFFF80  }
0x8e: {  	_ =	swait.ge [sflag:s29], $0x80  }
0x8f: {  	[sflag:s29] =	ssyncset.done $0x0  }
0x90: {  	[sflag:s29] =	ssyncadd.s32 $0xFFFFFF80  }
0x91: {  	_ =	swait.ge [sflag:s29], $0x80  }
0x92: {  	[sflag:s29] =	ssyncset.done $0x0  }
0x93: {  	[sflag:s29] =	ssyncadd.s32 $0xFFFFFF80  }
0x94: {  	_ =	swait.ge [sflag:s29], $0x80  }
0x95: {  	[sflag:s29] =	ssyncset.done $0x0  }
0x96: {  	[sflag:s29] =	ssyncadd.s32 $0xFFFFFF80  }
0x97: {  	_ =	swait.ge [sflag:s29], $0x80  }
0x98: {  	[sflag:s29] =	ssyncset.done $0x0  }
0x99: {  	[sflag:s29] =	ssyncadd.s32 $0xFFFFFF80  }
0x9a: {  	_ =	swait.ge [sflag:s29], $0x80  }
0x9b: {  	[sflag:s29] =	ssyncset.done $0x0  }
0x9c: {  	[sflag:s29] =	ssyncadd.s32 $0xFFFFFF80  }
0x9d: {  	_ =	swait.ge [sflag:s29], $0x80  }
0x9e: {  	[sflag:s29] =	ssyncset.done $0x0  }
0x9f: {  	[sflag:s29] =	ssyncadd.s32 $0xFFFFFF80  }
0xa0: {  	_ =	swait.ge [sflag:s29], $0x80  }
0xa1: {  	[sflag:s29] =	ssyncset.done $0x0  }
0xa2: {  	[sflag:s29] =	ssyncadd.s32 $0xFFFFFF80  }
0xa3: {  	_ =	swait.ge [sflag:s29], $0x80  }
0xa4: {  	[sflag:s29] =	ssyncset.done $0x0  }
0xa5: {  	[sflag:s29] =	ssyncadd.s32 $0xFFFFFF80  }
0xa6: {  	_ =	swait.ge [sflag:s29], $0x80  }
0xa7: {  	[sflag:s29] =	ssyncset.done $0x0  }
0xa8: {  	[sflag:s29] =	ssyncadd.s32 $0xFFFFFF80  }
0xa9: {  	_ =	swait.ge [sflag:s29], $0x80  }
0xaa: {  	[sflag:s29] =	ssyncset.done $0x0  }
0xab: {  	[sflag:s29] =	ssyncadd.s32 $0xFFFFFF80  }
0xac: {  	_ =	swait.ge [sflag:s29], $0x80  }
0xad: {  	[sflag:s29] =	ssyncset.done $0x0  }
0xae: {  	[sflag:s29] =	ssyncadd.s32 $0xFFFFFF80  }
0xaf: {  	_ =	swait.ge [sflag:s29], $0x80  }
0xb0: {  	[sflag:s29] =	ssyncset.done $0x0  }
0xb1: {  	[sflag:s29] =	ssyncadd.s32 $0xFFFFFF80  }
0xb2: {  	_ =	swait.ge [sflag:s29], $0x80  }
0xb3: {  	[sflag:s29] =	ssyncset.done $0x0  }
0xb4: {  	[sflag:s29] =	ssyncadd.s32 $0xFFFFFF80  }
0xb5: {  	_ =	swait.ge [sflag:s29], $0x80  }
0xb6: {  	s30 =	sadd.s32 $0x1, s30;
	[sflag:s29] =	ssyncset.done $0x0  }
0xb7: {  	p0 =	sne.s32 s30, s11;
	[sflag:s29] =	ssyncadd.s32 $0xFFFFFF80  }
0xb8: {  	[hbm4b:s10+s12] =	stream.strided.scatter [tilespmem:s18], [sflag:$0x2], $0xC00, s13, s12, $0x38;
	[tilespmem:$0x1C700] =	vst v63  }
.Ltmp2:
0xb9: {  	s0 =	sadd.s32 $0x3000, s10;
	(pc) =	sbr.rel @p0 .LBB2_1-.Ltmp2, $4  }
0xba: {  	[hbm4b:s0+s4] =	stream.linear.scatter [tilespmem:s23], [sflag:$0x2], $0x100, $0x38;
	[tilespmem:$0x1C700] =	vst v63  }
0xbb: {  	_ =	swait.ge [sflag:s16], $0xD00  }
0xbc: {  	[sflag:s16] =	ssyncset.done $0x0  }
0xbd: {  	[sflag:s16] =	ssyncadd.s32 $0xFFFFF300  }
0xbe: {  	_ =	sfence.sel $0x180000  }
0xbf: {  	[bflag:$0x0] =	sbarrier.arrive $0xFFFF  }
0xc0: {  	_ =	strace $0x90000047  }
0xc1: {  	s0 =	stileid.u32;
	[bflag:$0x2] =	sbarrier.arrive $0xFFFF  }
0xc2: {  	p0 =	sne.s32 s0, $0x0;
	s0 =	rddreg [dreg:$0x3]  }
0xc3: {  	s0 =	sadd.s32 @!p0 $0x100000, s0  }
0xc4: {  	[sflag:s0] =	ssyncadd.tile.s32 @!p0 $0x1;
	_ =	shalt  }
.Lfunc_end2:
_tile_overlayer_lowered:
.L_overlay_start_2:
0xc5: {  	(tag) =	ssettag $0x2  }
0xc6: {  	s0 =	rddreg [dreg:$0x0];
	s2 =	stileid.u32  }
0xc7: {  	s1 =	rddreg [dreg:$0x1];
	p0 =	sne.s32 s2, $0x0  }
0xc8: {  	s3 =	rddreg [dreg:$0x2];
	[bflag:$0x3] =	sbarrier.arrive $0xFFFF;
	s2 =	simm.s32 @!p0 $0x1C02  }
0xc9: {  	[timem:s3], [sflag:s2] =	dma.local @!p0 [hbm:s0], s1  }
0xca: {  	s0 =	simm.s32 @!p0 $0x2  }
0xcb: {  	_ =	swait.ge @!p0 [sflag:s0], s1  }
0xcc: {  	s1 =	ssub.s32 @!p0 $0x0, s1;
	[sflag:s0] =	ssyncset.done @!p0 $0x0  }
0xcd: {  	[sflag:s0] =	ssyncadd.s32 @!p0 s1  }
0xce: {  	[bflag:$0x3] =	sbarrier.arrive $0xFFFF  }
0xcf: {  	_ =	shalt  }

</sc_bundles>
